<compile_context>
chip_gen: v7x
topology: tpu7x:2x2x1
jax: 0.10.2.dev20260603
libtpu: 0.0.44.dev20260713+nightly
codegen_flags: <defaults>
</compile_context>

<pallas_src>
import functools

import jax
import jax.numpy as jnp
from jax import lax
from jax.experimental import pallas as pl
from jax.experimental.pallas import tpu as pltpu
from jax.experimental.pallas import tpu_sc as plsc

B = 16384
D = 10
L = 16
NS = 16
ROWS_PER_SC = B // NS
NGROUP = ROWS_PER_SC // L



def _rowsum_body(o_ref, t_ref, rs_ref):
    d = o_ref[...] - t_ref[...]
    rs_ref[...] = jnp.sum(d * d, axis=0)


_tc_rowsums = pl.pallas_call(
    _rowsum_body,
    out_shape=jax.ShapeDtypeStruct((B,), jnp.float32),
)



def _sc_body(rs_hbm, l_hbm, out_hbm,
             rs_v, lbl_v, part_v, loc_v, res_v, shared, sem):
    sid = lax.axis_index("s")
    row0 = sid * ROWS_PER_SC

    cps = [
        pltpu.async_copy(rs_hbm.at[pl.ds(row0, ROWS_PER_SC)], rs_v, sem),
        pltpu.async_copy(l_hbm.at[pl.ds(row0, ROWS_PER_SC)], lbl_v, sem),
    ]
    for cp in cps:
        cp.wait()

    ones = jnp.full((L,), 1.0, jnp.float32)
    zeros = jnp.full((L,), 0.0, jnp.float32)

    def step(g, carry):
        s_acc, c_acc = carry
        base = g * L
        lbl = lbl_v[pl.ds(base, L)]
        vf = jnp.where(lbl == -2, ones, zeros)
        rs = rs_v[pl.ds(base, L)]
        return (s_acc + rs * vf, c_acc + vf)

    s_acc, c_acc = lax.fori_loop(0, NGROUP, step, (zeros, zeros))

    part_v[pl.ds(0, L)] = s_acc
    part_v[pl.ds(L, L)] = c_acc
    pltpu.sync_copy(part_v, shared.at[pl.ds(sid * 2 * L, 2 * L)])
    plsc.subcore_barrier()

    @pl.when(sid == 0)
    def _():
        pltpu.sync_copy(shared, loc_v)

        def cstep(i, carry):
            s, c = carry
            return (s + loc_v[pl.ds(i * 2 * L, L)],
                    c + loc_v[pl.ds(i * 2 * L + L, L)])

        s_tot, c_tot = lax.fori_loop(0, NS, cstep, (zeros, zeros))
        ts = jnp.sum(s_tot)
        tc = jnp.sum(c_tot)
        res_v[...] = jnp.full((L,), ts, jnp.float32) / jnp.full(
            (L,), tc, jnp.float32)
        pltpu.sync_copy(res_v, out_hbm)


_sc_call = functools.partial(
    pl.kernel,
    mesh=plsc.VectorSubcoreMesh(core_axis_name="c", subcore_axis_name="s",
                                num_cores=1),
    out_type=jax.ShapeDtypeStruct((L,), jnp.float32),
    compiler_params=pltpu.CompilerParams(needs_layout_passes=False),
    scratch_types=[
        pltpu.VMEM((ROWS_PER_SC,), jnp.float32),
        pltpu.VMEM((ROWS_PER_SC,), jnp.int32),
        pltpu.VMEM((2 * L,), jnp.float32),
        pltpu.VMEM((NS * 2 * L,), jnp.float32),
        pltpu.VMEM((L,), jnp.float32),
        pltpu.VMEM_SHARED((NS * 2 * L,), jnp.float32),
        pltpu.SemaphoreType.DMA,
    ],
)(_sc_body)


@jax.jit
def kernel(landmark_out, landmark_target, label):
    rs = _tc_rowsums(landmark_out.T, landmark_target.T)
    out = _sc_call(rs, label.reshape(-1))
    return out[0]

# --- scband reference (transcript-rebuilt; emitter-appended) ---
"""Pipeline reference for scband-landmark-loss-41575283425812 (READ-ONLY COPY).

The authoritative reference and input builder live on the scoring server;
editing this copy changes nothing except your own understanding.
"""

import jax, jax.numpy as jnp
import numpy as np

B = 16384
D = 10

def setup_inputs(seed: int = 0) -> dict:
    key = jax.random.key(seed)
    k1, k2, k3 = jax.random.split(key, 3)
    landmark_out = jax.random.normal(k1, (B, D), dtype=jnp.float32)
    landmark_target = jax.random.normal(k2, (B, D), dtype=jnp.float32)
    # NOTE: labels drawn from [-2, 3) so that label == -2 occurs (~20% of rows are
    # valid landmark samples, matching MTCNN-style training data where -2 marks
    # landmark samples). Plain nonnegative randint would make keep_num == 0 and
    # the mean of an empty top-k would be NaN.
    label = jax.random.randint(k3, (B, 1), -2, 3, dtype=jnp.int32)
    return {"landmark_out": landmark_out, "landmark_target": landmark_target, "label": label}

def reference(landmark_out, landmark_target, label):
    keep_ratio = 1.0
    valid_label = jnp.where(label == -2, 1, 0)
    valid_label = jnp.squeeze(valid_label)
    keep_num = (jnp.sum(valid_label).astype(jnp.float32) * keep_ratio).astype(jnp.int32)
    # nn.MSELoss(reduction='none')
    loss = (landmark_out - landmark_target) ** 2
    loss = jnp.sum(loss, axis=1)
    loss = loss * valid_label.astype(loss.dtype)
    topv, _ = jax.lax.top_k(loss, loss.shape[0])
    topv = jnp.where(jnp.arange(loss.shape[0]) < keep_num, topv, jnp.zeros_like(topv))
    return jnp.sum(topv) / keep_num.astype(topv.dtype)

if __name__ == "__main__":
    import jax
    _d = setup_inputs()
    print(jax.jit(kernel)(*tuple(_d.values())))

</pallas_src>

<mosaic_0001>
#map = affine_map<(d0, d1) -> (0)>
module attributes {stable_mosaic.version = 14 : i64} {
  func.func @_sc_body(%arg0: i32, %arg1: i32, %arg2: memref<16384xf32, #tpu.memory_space<hbm>>, %arg3: memref<16384xi32, #tpu.memory_space<hbm>>, %arg4: memref<16xf32, #tpu.memory_space<hbm>>, %arg5: memref<1024xf32, #tpu.memory_space<vmem>>, %arg6: memref<1024xi32, #tpu.memory_space<vmem>>, %arg7: memref<32xf32, #tpu.memory_space<vmem>>, %arg8: memref<512xf32, #tpu.memory_space<vmem>>, %arg9: memref<16xf32, #tpu.memory_space<vmem>>, %arg10: memref<512xf32, #tpu.memory_space<vmem_shared>>, %arg11: memref<!tpu.dma_semaphore, #tpu.memory_space<semaphore_mem>>) attributes {dimension_semantics = [#tpu.dimension_semantics<core_parallel>, #tpu.dimension_semantics<subcore_parallel>], iteration_bounds = array<i64: 1, 16>, scalar_prefetch = 0 : i64, scratch_operands = 7 : i64, tpu.core_type = #tpu.core_type<sc_vector_subcore>, window_params = [{transform_indices = #map}, {transform_indices = #map}, {transform_indices = #map}]} {
    %mul3A = arith.constant 1024 : i32
    %mul3A_0 = arith.muli %arg1, %mul3A : i32
    %dma_start3A = tpu.memref_slice %arg2[%mul3A_0] : memref<16384xf32, #tpu.memory_space<hbm>> -> memref<1024xf32, #tpu.memory_space<hbm>>
    %dma_start3A_1 = tpu.memref_slice %arg2[%mul3A_0] : memref<16384xf32, #tpu.memory_space<hbm>> -> memref<1024xf32, #tpu.memory_space<hbm>>
    tpu.enqueue_dma source(%dma_start3A_1 : memref<1024xf32, #tpu.memory_space<hbm>>) target(%arg5 : memref<1024xf32, #tpu.memory_space<vmem>>) target_semaphore(%arg11 : memref<!tpu.dma_semaphore, #tpu.memory_space<semaphore_mem>>)
    %dma_start3A_2 = tpu.memref_slice %arg3[%mul3A_0] : memref<16384xi32, #tpu.memory_space<hbm>> -> memref<1024xi32, #tpu.memory_space<hbm>>
    %dma_start3A_3 = tpu.memref_slice %arg3[%mul3A_0] : memref<16384xi32, #tpu.memory_space<hbm>> -> memref<1024xi32, #tpu.memory_space<hbm>>
    tpu.enqueue_dma source(%dma_start3A_3 : memref<1024xi32, #tpu.memory_space<hbm>>) target(%arg6 : memref<1024xi32, #tpu.memory_space<vmem>>) target_semaphore(%arg11 : memref<!tpu.dma_semaphore, #tpu.memory_space<semaphore_mem>>)
    %dma_wait3A = tpu.memref_slice %arg2[%mul3A_0] : memref<16384xf32, #tpu.memory_space<hbm>> -> memref<1024xf32, #tpu.memory_space<hbm>>
    %dma_wait3A_4 = tpu.memref_slice %arg2[%mul3A_0] : memref<16384xf32, #tpu.memory_space<hbm>> -> memref<1024xf32, #tpu.memory_space<hbm>>
    tpu.wait_dma2 semaphore(%arg11 : memref<!tpu.dma_semaphore, #tpu.memory_space<semaphore_mem>>) src(%dma_wait3A_4 : memref<1024xf32, #tpu.memory_space<hbm>>) dst(%arg5 : memref<1024xf32, #tpu.memory_space<vmem>>)
    %dma_wait3A_5 = tpu.memref_slice %arg3[%mul3A_0] : memref<16384xi32, #tpu.memory_space<hbm>> -> memref<1024xi32, #tpu.memory_space<hbm>>
    %dma_wait3A_6 = tpu.memref_slice %arg3[%mul3A_0] : memref<16384xi32, #tpu.memory_space<hbm>> -> memref<1024xi32, #tpu.memory_space<hbm>>
    tpu.wait_dma2 semaphore(%arg11 : memref<!tpu.dma_semaphore, #tpu.memory_space<semaphore_mem>>) src(%dma_wait3A_6 : memref<1024xi32, #tpu.memory_space<hbm>>) dst(%arg6 : memref<1024xi32, #tpu.memory_space<vmem>>)
    %broadcast_in_dim3A = arith.constant 1.000000e+00 : f32
    %broadcast_in_dim3A_7 = vector.broadcast %broadcast_in_dim3A : f32 to vector<16xf32>
    %broadcast_in_dim3A_8 = arith.constant 0.000000e+00 : f32
    %broadcast_in_dim3A_9 = vector.broadcast %broadcast_in_dim3A_8 : f32 to vector<16xf32>
    %scan3A = arith.constant 0 : i32
    %scan3A_10 = arith.constant 64 : i32
    %scan3A_11 = arith.addi %scan3A, %scan3A_10 : i32
    %scan3A_12 = arith.constant 1 : i32
    %scan3A_13:2 = scf.for %scan3A_24 = %scan3A to %scan3A_11 step %scan3A_12 iter_args(%scan3A_25 = %broadcast_in_dim3A_9, %scan3A_26 = %broadcast_in_dim3A_9) -> (vector<16xf32>, vector<16xf32>)  : i32 {
      %mul3A_27 = arith.constant 16 : i32
      %mul3A_28 = arith.muli %scan3A_24, %mul3A_27 : i32
      %get3A = arith.index_cast %mul3A_28 : i32 to index
      %get3A_29 = tpu.vector_load %arg6[%get3A] {strides = array<i32>} : memref<1024xi32, #tpu.memory_space<vmem>>, vector<16xi32>,
      %eq3A_30 = arith.constant -2 : i32
      %eq3A_31 = vector.broadcast %eq3A_30 : i32 to vector<16xi32>
      %eq3A_32 = arith.cmpi eq, %get3A_29, %eq3A_31 : vector<16xi32>
      %select_n3A = arith.select %eq3A_32, %broadcast_in_dim3A_7, %broadcast_in_dim3A_9 : vector<16xi1>, vector<16xf32>
      %get3A_33 = arith.index_cast %mul3A_28 : i32 to index
      %get3A_34 = tpu.vector_load %arg5[%get3A_33] {strides = array<i32>} : memref<1024xf32, #tpu.memory_space<vmem>>, vector<16xf32>,
      %mul3A_35 = arith.mulf %get3A_34, %select_n3A : vector<16xf32>
      %add3A = arith.addf %scan3A_25, %mul3A_35 : vector<16xf32>
      %add3A_36 = arith.addf %scan3A_26, %select_n3A : vector<16xf32>
      scf.yield %add3A, %add3A_36 : vector<16xf32>, vector<16xf32>
    }
    %scan3A_14 = arith.constant 64 : i32
    %swap3A = arith.constant 0 : index
    %swap3A_15 = tpu.vector_load %arg7[%swap3A] {strides = array<i32>} : memref<32xf32, #tpu.memory_space<vmem>>, vector<16xf32>,
    tpu.vector_store %arg7[%swap3A], %scan3A_13#0 {strides = array<i32>} : memref<32xf32, #tpu.memory_space<vmem>>, vector<16xf32>,
    %swap3A_16 = arith.constant 16 : index
    %swap3A_17 = tpu.vector_load %arg7[%swap3A_16] {strides = array<i32>} : memref<32xf32, #tpu.memory_space<vmem>>, vector<16xf32>,
    tpu.vector_store %arg7[%swap3A_16], %scan3A_13#1 {strides = array<i32>} : memref<32xf32, #tpu.memory_space<vmem>>, vector<16xf32>,
    %mul3A_18 = arith.constant 2 : i32
    %mul3A_19 = arith.muli %arg1, %mul3A_18 : i32
    %mul3A_20 = arith.constant 16 : i32
    %mul3A_21 = arith.muli %mul3A_19, %mul3A_20 : i32
    "tpu.region"() ({
      %run_scoped3A = tpu.sem_alloc : memref<!tpu.dma_semaphore, #tpu.memory_space<semaphore_mem>>
      %dma_start3A_24 = tpu.memref_slice %arg10[%mul3A_21] : memref<512xf32, #tpu.memory_space<vmem_shared>> -> memref<32xf32, #tpu.memory_space<vmem_shared>>
      %dma_start3A_25 = tpu.memref_slice %arg10[%mul3A_21] : memref<512xf32, #tpu.memory_space<vmem_shared>> -> memref<32xf32, #tpu.memory_space<vmem_shared>>
      tpu.enqueue_dma source(%arg7 : memref<32xf32, #tpu.memory_space<vmem>>) target(%dma_start3A_25 : memref<32xf32, #tpu.memory_space<vmem_shared>>) target_semaphore(%run_scoped3A : memref<!tpu.dma_semaphore, #tpu.memory_space<semaphore_mem>>)
      %dma_wait3A_26 = tpu.memref_slice %arg10[%mul3A_21] : memref<512xf32, #tpu.memory_space<vmem_shared>> -> memref<32xf32, #tpu.memory_space<vmem_shared>>
      %dma_wait3A_27 = tpu.memref_slice %arg10[%mul3A_21] : memref<512xf32, #tpu.memory_space<vmem_shared>> -> memref<32xf32, #tpu.memory_space<vmem_shared>>
      tpu.wait_dma2 semaphore(%run_scoped3A : memref<!tpu.dma_semaphore, #tpu.memory_space<semaphore_mem>>) src(%arg7 : memref<32xf32, #tpu.memory_space<vmem>>) dst(%dma_wait3A_27 : memref<32xf32, #tpu.memory_space<vmem_shared>>)
      tpu.yield
    }) : () -> ()
    %barrier3A = arith.constant 0 : index
    tpu.barrier barrier_id(%barrier3A)
    %eq3A = arith.constant 0 : i32
    %eq3A_22 = arith.cmpi eq, %arg1, %eq3A : i32
    %convert_element_type3A = arith.extui %eq3A_22 : i1 to i32
    %cond3A = arith.constant 0 : i32
    %cond3A_23 = arith.cmpi ne, %convert_element_type3A, %cond3A : i32
    scf.if %cond3A_23 {
      "tpu.region"() ({
        %run_scoped3A = tpu.sem_alloc : memref<!tpu.dma_semaphore, #tpu.memory_space<semaphore_mem>>
        tpu.enqueue_dma source(%arg10 : memref<512xf32, #tpu.memory_space<vmem_shared>>) target(%arg8 : memref<512xf32, #tpu.memory_space<vmem>>) target_semaphore(%run_scoped3A : memref<!tpu.dma_semaphore, #tpu.memory_space<semaphore_mem>>)
        tpu.wait_dma2 semaphore(%run_scoped3A : memref<!tpu.dma_semaphore, #tpu.memory_space<semaphore_mem>>) src(%arg10 : memref<512xf32, #tpu.memory_space<vmem_shared>>) dst(%arg8 : memref<512xf32, #tpu.memory_space<vmem>>)
        tpu.yield
      }) : () -> ()
      %scan3A_24 = arith.constant 0 : i32
      %scan3A_25 = arith.constant 16 : i32
      %scan3A_26 = arith.addi %scan3A_24, %scan3A_25 : i32
      %scan3A_27 = arith.constant 1 : i32
      %scan3A_28:2 = scf.for %scan3A_41 = %scan3A_24 to %scan3A_26 step %scan3A_27 iter_args(%scan3A_42 = %broadcast_in_dim3A_9, %scan3A_43 = %broadcast_in_dim3A_9) -> (vector<16xf32>, vector<16xf32>)  : i32 {
        %mul3A_44 = arith.constant 2 : i32
        %mul3A_45 = arith.muli %scan3A_41, %mul3A_44 : i32
        %mul3A_46 = arith.constant 16 : i32
        %mul3A_47 = arith.muli %mul3A_45, %mul3A_46 : i32
        %get3A = arith.index_cast %mul3A_47 : i32 to index
        %get3A_48 = tpu.vector_load %arg8[%get3A] {strides = array<i32>} : memref<512xf32, #tpu.memory_space<vmem>>, vector<16xf32>,
        %add3A = arith.addf %scan3A_42, %get3A_48 : vector<16xf32>
        %mul3A_49 = arith.constant 2 : i32
        %mul3A_50 = arith.muli %scan3A_41, %mul3A_49 : i32
        %mul3A_51 = arith.constant 16 : i32
        %mul3A_52 = arith.muli %mul3A_50, %mul3A_51 : i32
        %add3A_53 = arith.constant 16 : i32
        %add3A_54 = arith.addi %mul3A_52, %add3A_53 : i32
        %get3A_55 = arith.index_cast %add3A_54 : i32 to index
        %get3A_56 = tpu.vector_load %arg8[%get3A_55] {strides = array<i32>} : memref<512xf32, #tpu.memory_space<vmem>>, vector<16xf32>,
        %add3A_57 = arith.addf %scan3A_43, %get3A_56 : vector<16xf32>
        scf.yield %add3A, %add3A_57 : vector<16xf32>, vector<16xf32>
      }
      %scan3A_29 = arith.constant 16 : i32
      %reduce_sum3A = arith.constant true
      %reduce_sum3A_30 = vector.broadcast %reduce_sum3A : i1 to vector<16xi1>
      %reduce_sum3A_31 = tpu.scan <sum>, %scan3A_28#0 masked %reduce_sum3A_30 : vector<16xf32>, vector<16xi1> -> vector<16xf32>
      %reduce_sum3A_32 = vector.extract %reduce_sum3A_31[15] : f32 from vector<16xf32>
      %reduce_sum3A_33 = arith.constant true
      %reduce_sum3A_34 = vector.broadcast %reduce_sum3A_33 : i1 to vector<16xi1>
      %reduce_sum3A_35 = tpu.scan <sum>, %scan3A_28#1 masked %reduce_sum3A_34 : vector<16xf32>, vector<16xi1> -> vector<16xf32>
      %reduce_sum3A_36 = vector.extract %reduce_sum3A_35[15] : f32 from vector<16xf32>
      %broadcast_in_dim3A_37 = vector.broadcast %reduce_sum3A_32 : f32 to vector<16xf32>
      %broadcast_in_dim3A_38 = vector.broadcast %reduce_sum3A_36 : f32 to vector<16xf32>
      %div3A = arith.divf %broadcast_in_dim3A_37, %broadcast_in_dim3A_38 : vector<16xf32>
      %swap3A_39 = arith.constant 0 : index
      %swap3A_40 = tpu.vector_load %arg9[%swap3A_39] {strides = array<i32>} : memref<16xf32, #tpu.memory_space<vmem>>, vector<16xf32>,
      tpu.vector_store %arg9[%swap3A_39], %div3A {strides = array<i32>} : memref<16xf32, #tpu.memory_space<vmem>>, vector<16xf32>,
      "tpu.region"() ({
        %run_scoped3A = tpu.sem_alloc : memref<!tpu.dma_semaphore, #tpu.memory_space<semaphore_mem>>
        tpu.enqueue_dma source(%arg9 : memref<16xf32, #tpu.memory_space<vmem>>) target(%arg4 : memref<16xf32, #tpu.memory_space<hbm>>) target_semaphore(%run_scoped3A : memref<!tpu.dma_semaphore, #tpu.memory_space<semaphore_mem>>)
        tpu.wait_dma2 semaphore(%run_scoped3A : memref<!tpu.dma_semaphore, #tpu.memory_space<semaphore_mem>>) src(%arg9 : memref<16xf32, #tpu.memory_space<vmem>>) dst(%arg4 : memref<16xf32, #tpu.memory_space<hbm>>)
        tpu.yield
      }) : () -> ()
    } else {
    }
    return
  }
}

module attributes {stable_mosaic.version = 14 : i64} {
  func.func @_rowsum_body(%arg0: memref<10x16384xf32, #tpu.memory_space<vmem>>, %arg1: memref<10x16384xf32, #tpu.memory_space<vmem>>, %arg2: memref<16384xf32, #tpu.memory_space<vmem>>) attributes {dimension_semantics = [], scalar_prefetch = 0 : i64, scratch_operands = 0 : i64, tpu.core_type = #tpu.core_type<tc>} {
    %get3A = arith.constant 0 : index
    %get3A_0 = arith.constant 0 : index
    %get3A_1 = vector.load %arg0[%get3A, %get3A_0] : memref<10x16384xf32, #tpu.memory_space<vmem>>, vector<10x16384xf32>
    %get3A_2 = arith.constant 0 : index
    %get3A_3 = arith.constant 0 : index
    %get3A_4 = vector.load %arg1[%get3A_2, %get3A_3] : memref<10x16384xf32, #tpu.memory_space<vmem>>, vector<10x16384xf32>
    %sub3A = arith.subf %get3A_1, %get3A_4 : vector<10x16384xf32>
    %mul3A = arith.mulf %sub3A, %sub3A : vector<10x16384xf32>
    %reduce_sum3A = arith.constant dense<0.000000e+00> : vector<16384xf32>
    %reduce_sum3A_5 = vector.multi_reduction <add>, %mul3A, %reduce_sum3A [0] : vector<10x16384xf32> to vector<16384xf32>
    %swap3A = arith.constant 0 : index
    %swap3A_6 = vector.load %arg2[%swap3A] : memref<16384xf32, #tpu.memory_space<vmem>>, vector<16384xf32>
    tpu.vector_store %arg2[%swap3A], %reduce_sum3A_5 {strides = array<i32>} : memref<16384xf32, #tpu.memory_space<vmem>>, vector<16384xf32>,
    return
  }
}

</mosaic_0001>

<sc_bundles>
// kernel: kernel.4.cloned.1.call-start
scs
__scs_entry_jumppad:
0x0: {  	(pc) =	sbr.rel $0x88, $3  }
0x1: {  	(tag) =	ssettag $0x0;
	lr =	simm.s32 $0x1  }
0x2: {  	[smem:$0x3F9E] =	sst lr;
	_ =	strace $0xD0000000  }
0x3: {  	_ = 	snop  }
0x4: {  	_ = 	snop  }
0x5: {  	_ = 	snop  }
0x6: {  	_ = 	snop  }
0x7: {  	_ = 	snop  }
__scs_overlays_trampoline_lowered:
0x8: {  	[smem:$0x3FAD] =	sst s0  }
0x9: {  	[smem:$0x3FAE] =	sst s1  }
0xa: {  	[smem:$0x3FAF] =	sst s2  }
0xb: {  	[smem:$0x3FB0] =	sst s3  }
0xc: {  	[smem:$0x3FB1] =	sst s4  }
0xd: {  	[smem:$0x3FB2] =	sst s5  }
0xe: {  	[smem:$0x3FB3] =	sst s6  }
0xf: {  	[smem:$0x3FB4] =	sst s7  }
0x10: {  	[smem:$0x3FB5] =	sst s8  }
0x11: {  	[smem:$0x3FB6] =	sst s9;
	s0 =	simm.s32 @!p0 $0x0  }
0x12: {  	s1 =	sld [smem:$0x3F9C];
	s0 =	simm.s32 @p0 $0x1  }
0x13: {  	[smem:$0x3FB7] =	sst s0;
	s0 =	simm.s32 @!p1 $0x0  }
0x14: {  	s2 =	sld [smem:$0x3F9B];
	s0 =	simm.s32 @p1 $0x1  }
0x15: {  	[smem:$0x3FB8] =	sst s0;
	s0 =	simm.s32 @!p2 $0x0  }
0x16: {  	s3 =	sld [smem:$0x3FDB];
	s0 =	simm.s32 @p2 $0x1  }
0x17: {  	s4 =	simm.s32 $0x1BF5;
	[smem:$0x3FBA] =	sst s0  }
0x18: {  	s0 =	sld [smem:$0x3F9D];
	_ =	swait.ge [sflag:s4], $0x0  }
0x19: {  	s7 =	sld [smem:$0x3F9E]  }
0x1a: {  	s8 =	sadd.s32 $0xFFFFE003, lr  }
0x1b: {  	s9 =	sadd.s32 $0xFFFFFEF7, lr;
	s5 =	simm.s32 $0xFFFFFFFF;
	p2 =	slt.u32 s8, $0xFFFFF086  }
0x1c: {  	p1 =	slt.u32 s9, $0xF7A;
	s5 =	simm.s32 @!p2 $0x0  }
0x1d: {  	s5 =	simm.s32 @p1 $0x1;
	p0 =	seq.s32 s7, s2  }
0x1e: {  	s7 =	smul.u32 @!p0 $0xF7A, s2;
	p2 =	seq.s32 @!p0 s5, $0x0  }
0x1f: {  	s9 =	smul.u32 $0xF7A, s1;
	s8 =	simm.s32 @!p0 $0x1BF5;
	p2 =	por !p2, p0  }
0x20: {  	[sflag:s8] =	ssyncset.s32 @!p0 $0xFFFFF086;
	s6 =	sadd.s32 @!p0 s3, s7;
	s7 =	simm.s32 @!p0 $0x108  }
0x21: {  	s3 =	sadd.s32 s3, s9;
	s6 =	sadd.s32 @!p0 $0x88, s6;
	s7 =	simm.s32 @p2 $0x1082  }
0x22: {  	[simem:s7], [sflag:s8] =	dma.local @!p0 [hbm:s6], $0xF7A  }
0x23: {  	s9 =	sor.u32 $0xD0000000, s2;
	s6 =	simm.s32 $0x108;
	_ =	swait.ge @!p0 [sflag:s8], $0x0  }
0x24: {  	s3 =	sadd.s32 $0x88, s3;
	s6 =	simm.s32 @!p1 $0x1082;
	[sflag:s4] =	ssyncset.s32 $0xFFFFF086  }
0x25: {  	[simem:s6], [sflag:s4] =	dma.local [hbm:s3], $0xF7A  }
0x26: {  	[smem:$0x3F9E] =	sst s1;
	(tag) =	ssettag s2;
	_ =	strace s9  }
0x27: {  	s1 =	sld [smem:$0x3FAE]  }
0x28: {  	s2 =	sld [smem:$0x3FAF]  }
0x29: {  	s4 =	sld [smem:$0x3FB1]  }
0x2a: {  	p0 =	seq.s32 s5, $0x0;
	s5 =	sld [smem:$0x3FB2]  }
0x2b: {  	s6 =	sld [smem:$0x3FB3]  }
0x2c: {  	s7 =	sld [smem:$0x3FB4]  }
0x2d: {  	s3 =	simm.s32 $0x108;
	s8 =	sld [smem:$0x3FB5]  }
0x2e: {  	s3 =	simm.s32 @!p0 $0x1082;
	s9 =	sld [smem:$0x3FB6]  }
0x2f: {  	lr =	sadd.s32 s0, s3;
	s0 =	sld [smem:$0x3FAD]  }
0x30: {  	s3 =	sld [smem:$0x3FB0]  }
0x31: {  	[smem:$0x3FB9] =	sst s10  }
0x32: {  	s10 =	sld [smem:$0x3FB7];
	_ =	sdelay $0x3  }
0x33: {  	p0 =	seq.s32 s10, $0x1;
	s10 =	sld [smem:$0x3FB9];
	_ =	sdelay $0x3  }
0x34: {  	[smem:$0x3FB9] =	sst s10  }
0x35: {  	s10 =	sld [smem:$0x3FB8];
	_ =	sdelay $0x3  }
0x36: {  	p1 =	seq.s32 s10, $0x1;
	s10 =	sld [smem:$0x3FB9];
	_ =	sdelay $0x3  }
0x37: {  	[smem:$0x3FB9] =	sst s10  }
0x38: {  	s10 =	sld [smem:$0x3FBA]  }
0x39: {  	_ = 	snop;
	(pc) =	sbr.ind lr, $3  }
0x3a: {  	_ = 	snop  }
0x3b: {  	_ = 	snop  }
0x3c: {  	p2 =	seq.s32 s10, $0x1;
	s10 =	sld [smem:$0x3FB9]  }
0x3d: {  	_ =	shalt  }
0x3e: {  	_ =	shalt  }
0x3f: {  	_ =	shalt  }
0x40: {  	_ =	shalt  }
0x41: {  	_ =	shalt  }
0x42: {  	_ =	shalt  }
0x43: {  	_ =	shalt  }
0x44: {  	_ =	shalt  }
0x45: {  	_ =	shalt  }
0x46: {  	_ =	shalt  }
0x47: {  	_ =	shalt  }
0x48: {  	_ =	shalt  }
0x49: {  	_ =	shalt  }
0x4a: {  	_ =	shalt  }
0x4b: {  	_ =	shalt  }
0x4c: {  	_ =	shalt  }
0x4d: {  	_ =	shalt  }
0x4e: {  	_ =	shalt  }
0x4f: {  	_ =	shalt  }
0x50: {  	_ =	shalt  }
0x51: {  	_ =	shalt  }
0x52: {  	_ =	shalt  }
0x53: {  	_ =	shalt  }
0x54: {  	_ =	shalt  }
0x55: {  	_ =	shalt  }
0x56: {  	_ =	shalt  }
0x57: {  	_ =	shalt  }
0x58: {  	_ =	shalt  }
0x59: {  	_ =	shalt  }
0x5a: {  	_ =	shalt  }
0x5b: {  	_ =	shalt  }
0x5c: {  	_ =	shalt  }
0x5d: {  	_ =	shalt  }
0x5e: {  	_ =	shalt  }
0x5f: {  	_ =	shalt  }
0x60: {  	_ =	shalt  }
0x61: {  	_ =	shalt  }
0x62: {  	_ =	shalt  }
0x63: {  	_ =	shalt  }
0x64: {  	_ =	shalt  }
0x65: {  	_ =	shalt  }
0x66: {  	_ =	shalt  }
0x67: {  	_ =	shalt  }
0x68: {  	_ =	shalt  }
0x69: {  	_ =	shalt  }
0x6a: {  	_ =	shalt  }
0x6b: {  	_ =	shalt  }
0x6c: {  	_ =	shalt  }
0x6d: {  	_ =	shalt  }
0x6e: {  	_ =	shalt  }
0x6f: {  	_ =	shalt  }
0x70: {  	_ =	shalt  }
0x71: {  	_ =	shalt  }
0x72: {  	_ =	shalt  }
0x73: {  	_ =	shalt  }
0x74: {  	_ =	shalt  }
0x75: {  	_ =	shalt  }
0x76: {  	_ =	shalt  }
0x77: {  	_ =	shalt  }
0x78: {  	_ =	shalt  }
0x79: {  	_ =	shalt  }
0x7a: {  	_ =	shalt  }
0x7b: {  	_ =	shalt  }
0x7c: {  	_ =	shalt  }
0x7d: {  	_ =	shalt  }
0x7e: {  	_ =	shalt  }
0x7f: {  	_ =	shalt  }
0x80: {  	_ =	shalt  }
0x81: {  	_ =	shalt  }
0x82: {  	_ =	shalt  }
0x83: {  	_ =	shalt  }
0x84: {  	_ =	shalt  }
0x85: {  	_ =	shalt  }
0x86: {  	_ =	shalt  }
0x87: {  	_ =	shalt  }
.Lfunc_end0:
.L_simem_size_0:
called_computation_lowered:
.L_overlay_start_0:
0x88: {  	s0 =	sld [smem:$0x3FD9]  }
0x89: {  	s1 =	sld [smem:$0x3FFE];
	_ =	sdelay $0x3  }
0x8a: {  	s0 =	sadd.s32 s1, s0  }
0x8b: {  	[smem:$0x3FC5] =	sst s0  }
0x8c: {  	_ = 	snop  }
0x8d: {  	s0 =	sld [smem:$0x3FC7]  }
0x8e: {  	s16 =	sld [smem:$0x3FD0];
	(tm) =	ssettm $0x1  }
0x8f: {  	s2 =	sld [smem:$0x3FFB];
	_ =	sdelay $0x3  }
0x90: {  	_ =	strace s2  }
0x91: {  	s2 =	sld [smem:$0x3FFC];
	_ =	sdelay $0x3  }
0x92: {  	_ =	strace s2  }
0x93: {  	s2 =	sld [smem:$0x3FFD];
	_ =	sdelay $0x3  }
0x94: {  	_ =	strace s2  }
0x95: {  	_ =	strace $0x8FFFFFFF  }
0x96: {  	s17 =	sld [smem:$0x3FDB];
	_ =	sdelay $0x1  }
0x97: {  	s3 =	simm.s32 $_scs_section_size  }
0x98: {  	s4 =	simm.s32 $_size__tile_overlayer_lowered;
	s5 =	simm.s32 $_tile_overlayer_lowered  }
0x99: {  	s20 =	simm.s32 $0x1BFF;
	s19 =	sshll.u32 s5, $0x1;
	s2 =	sadd.s32 s3, s17  }
0x9a: {  	s6 =	simm.s32 $0x0;
	s18 =	sshll.u32 s4, $0x1;
	s4 =	sadd.s32 s19, s2  }
0x9b: {  	[timem:s6], [sflag:s20] =	dma.local [hbm:s4], s18  }
0x9c: {  	_ =	swait.ge [sflag:s20], s18  }
0x9d: {  	s3 =	ssub.s32 $0x0, s18;
	[sflag:s20] =	ssyncset.done $0x0  }
0x9e: {  	[sflag:s20] =	ssyncadd.s32 s3;
	_ =	sdelay $0x1  }
0x9f: {  	s21 =	simm.s32 $0x1B8B  }
0xa0: {  	_ =	swait.ge [sflag:s21], $0x1  }
0xa1: {  	[sflag:s21] =	ssyncset.done $0x0  }
0xa2: {  	s23 =	simm.s32 $0x1B8E;
	s22 =	sld [smem:$0x3FFE];
	[sflag:s21] =	ssyncadd.s32 $0xFFFFFFFF  }
0xa3: {  	s24 =	simm.s32 $execute0_lowered;
	[smem:$0x3FD2] =	sst s23  }
0xa4: {  	s4 =	sshll.u32 s24, $0x1;
	_ =	strace $0x80000046;
	[dreg:$0x1] =	wrdreg $0xFFFFFFFF  }
0xa5: {  	s25 =	simm.s32 $_size_execute0_lowered;
	s2 =	sadd.s32 s2, s4;
	[dreg:$0x0] =	wrdreg $0x0  }
0xa6: {  	s4 =	sshll.u32 s25, $0x1;
	[dreg:$0x2] =	wrdreg s2  }
0xa7: {  	[dreg:$0x3] =	wrdreg s4  }
0xa8: {  	[dreg:$0x4] =	wrdreg $0xC0  }
0xa9: {  	_ =	task [dreg:s6], $0x5FFFF  }
0xaa: {  	[dreg:$0x1] =	wrdreg $0xFFFFFFFF  }
0xab: {  	[dreg:$0x0] =	wrdreg $0x60  }
0xac: {  	[dreg:$0x2] =	wrdreg s22  }
0xad: {  	[dreg:$0x3] =	wrdreg s0  }
0xae: {  	[dreg:$0x4] =	wrdreg s16  }
0xaf: {  	[dreg:$0x5] =	wrdreg $0xB000  }
0xb0: {  	[dreg:$0x6] =	wrdreg $0x9  }
0xb1: {  	_ =	task.clear_ibuf [dreg:s6], $0x7FFFF;
	_ =	strace $0x90000046  }
0xb2: {  	s26 =	simm.s32 $0x9;
	_ =	strace $0x80000048  }
0xb3: {  	_ =	swait.ge [sflag:s26], $0x1  }
0xb4: {  	[sflag:s26] =	ssyncadd.s32 $0xFFFFFFFF  }
0xb5: {  	_ =	strace $0x90000048  }
0xb6: {  	_ =	sfence  }
0xb7: {  	s28 =	sld [smem:$0x0];
	_ =	sdelay $0x1  }
0xb8: {  	s29 =	srdreg.scid  }
0xb9: {  	s30 =	sshll.u32 s29, $0xD;
	s31 =	sshrl.u32 s29, $0x2  }
0xba: {  	s1 =	sand.u32 $0x1, s29;
	s2 =	sand.u32 $0x4000, s30;
	s0 =	sadd.s32 s31, s28  }
0xbb: {  	s1 =	sor.u32 s2, s1;
	s0 =	sshll.u32 s0, $0x11  }
0xbc: {  	s0 =	sor.u32 s0, s1  }
0xbd: {  	s0 =	sadd.s32 $0x8F2B, s0  }
0xbe: {  	[sflag:s0] =	ssyncadd.remote.s32 $0x1  }
0xbf: {  	_ =	sfence.sel $0xFFFF  }
0xc0: {  	[dreg:$0x0] =	wrdreg $0xFFFFFFFF;
	(pc) =	sbr.abs _section_cstart, $3  }
0xc1: {  	[dreg:$0x1] =	wrdreg $0xFFFFFFFF  }
0xc2: {  	_ =	task.clear_ibuf [dreg:s6], $0x2FFFF;
	_ =	strace $0x9FFFFFFF  }
0xc3: {  	(tm) =	ssettm $0x7FFFFFFF  }
tec
execute0_lowered:
.L_overlay_start_1:
0x0: {  	(tag) =	ssettag $0x1  }
0x1: {  	s5 =	rddreg [dreg:$0x0]  }
0x2: {  	s6 =	rddreg [dreg:$0x1]  }
0x3: {  	s1 =	rddreg [dreg:$0x2];
	s4 =	stileid.u32  }
0x4: {  	s3 =	rddreg [dreg:$0x3];
	s7 =	simm.s32 $0x0;
	s2 =	sshll.u32 s4, $0x7  }
0x5: {  	[smem:$0x7FF] =	sst s7;
	s5 =	sadd.s32 s2, s5  }
0x6: {  	s0 =	rddreg [dreg:$0x4];
	_ =	strace $0x80000047;
	s5 =	sadd.s32 $0xA00, s5  }
0x7: {  	[tilespmem:s7], [sflag:$0x1] =	stream.linear.gather [hbm4b:s5+s7], $0x400, $0x38;
	[tilespmem:$0xB20] =	vst v63  }
0x8: {  	s29 =	simm.s32 $0x400;
	s30 =	simm.s32 $0x1;
	s28 =	sadd.s32 s6, s2  }
0x9: {  	[tilespmem:s29], [sflag:$0x1] =	stream.linear.gather [hbm4b:s28+s7], $0x400, $0x38;
	[tilespmem:$0xB20] =	vst v63  }
0xa: {  	_ =	swait.ge [sflag:s30], $0x400  }
0xb: {  	[sflag:s30] =	ssyncset.done $0x0  }
0xc: {  	[sflag:s30] =	ssyncadd.s32 $0xFFFFFC00  }
0xd: {  	_ =	swait.ge [sflag:s30], $0x400  }
0xe: {  	[sflag:s30] =	ssyncset.done $0x0  }
0xf: {  	s31 =	simm.s32 $0x0;
	[sflag:s30] =	ssyncadd.s32 $0xFFFFFC00  }
0x10: {  	v2 =	vld [tilespmem:s31+$0x400];
	_ =	sdelay $0x1  }
0x11: {  	v4 =	vld [tilespmem:s31+$0x0]  }
0x12: {  	v0 =	vimm.f32 $0.0e+00;
	v1 =	vimm.f32 $0.0e+00;
	v3 =	vimm.f32 $0.0e+00;
	s5 =	simm.s32 $0x40  }
.LBB2_1:
0x13: {  	p0 =	sne.s32 s5, $0xFC0  }
.Ltmp0:
0x14: {  	s6 =	sshra.s32 s5, $0x2;
	s5 =	sadd.s32 $0x40, s5;
	vm0 =	veq.s32 v2, $0xFFFFFFFE;
	(pc) =	sbr.rel @p0 .LBB2_1-.Ltmp0, $4  }
0x15: {  	v2 =	vld [tilespmem:s6+$0x400];
	v5 =	vsel vm0, $0x3F800000, v0  }
0x16: {  	v6 =	vmul.f32 v5, v4;
	v1 =	vadd.f32 v5, v1  }
0x17: {  	v4 =	vld [tilespmem:s6+$0x0]  }
0x18: {  	v3 =	vadd.f32 v6, v3  }
0x19: {  	_ = 	snop  }
0x1a: {  	vm0 =	veq.s32 v2, $0xFFFFFFFE  }
0x1b: {  	v0 =	vsel vm0, $0x3F800000, v0  }
0x1c: {  	v63 =	vmul.f32 v0, v4  }
0x1d: {  	v0 =	vadd.f32 v0, v1  }
0x1e: {  	v2 =	vadd.f32 v63, v3  }
0x1f: {  	s2 =	sshrl.u32 s2, $0x2;
	[tilespmem:$0x810] =	vst v0  }
0x20: {  	s5 =	simm.s32 $0x800;
	s2 =	sadd.s32 s2, s3;
	[tilespmem:$0x800] =	vst v2  }
0x21: {  	[spmem:s2] =	stream.linear.scatter [tilespmem:s5], [sflag:$0x2], $0x20, $0x38;
	[tilespmem:$0xB20] =	vst v63  }
0x22: {  	s2 =	simm.s32 $0x2  }
0x23: {  	_ =	swait.ge [sflag:s2], $0x20  }
0x24: {  	[sflag:s2] =	ssyncset.done $0x0  }
0x25: {  	[sflag:s2] =	ssyncadd.s32 $0xFFFFFFE0  }
0x26: {  	p0 =	sne.s32 s4, $0x0;
	[bflag:$0x0] =	sbarrier.arrive $0xFFFF  }
0x27: {  	_ =	sfence.sel @p0 $0x180000  }
0x28: {  	[bflag:$0x0] =	sbarrier.arrive @p0 $0xFFFF  }
0x29: {  	_ =	strace @p0 $0x90000047  }
0x2a: {  	[bflag:$0x2] =	sbarrier.arrive @p0 $0xFFFF  }
0x2b: {  	_ =	shalt @p0  }
.LBB2_3:
0x2c: {  	s4 =	simm.s32 $0x880  }
0x2d: {  	[tilespmem:s4], [sflag:$0x2] =	stream.linear.gather [spmem:s3], $0x200, $0x38;
	[tilespmem:$0xB20] =	vst v63  }
0x2e: {  	_ =	swait.ge [sflag:s2], $0x200  }
0x2f: {  	[sflag:s2] =	ssyncset.done $0x0  }
0x30: {  	[sflag:s2] =	ssyncadd.s32 $0xFFFFFE00  }
0x31: {  	v0 =	vld [tilespmem:$0x880]  }
0x32: {  	v1 =	vld [tilespmem:$0x890]  }
0x33: {  	v2 =	vld [tilespmem:$0x8A0]  }
0x34: {  	v3 =	vld [tilespmem:$0x8B0]  }
0x35: {  	v4 =	vld [tilespmem:$0x8C0]  }
0x36: {  	v5 =	vld [tilespmem:$0x8D0];
	v0 =	vadd.f32 $0.0e+00, v0  }
0x37: {  	v6 =	vld [tilespmem:$0x8E0];
	v1 =	vadd.f32 $0.0e+00, v1  }
0x38: {  	v39 =	vld [tilespmem:$0x8F0];
	v0 =	vadd.f32 v2, v0  }
0x39: {  	v40 =	vld [tilespmem:$0x900];
	v1 =	vadd.f32 v3, v1  }
0x3a: {  	v41 =	vld [tilespmem:$0x910];
	v0 =	vadd.f32 v4, v0  }
0x3b: {  	v42 =	vld [tilespmem:$0x920];
	v1 =	vadd.f32 v5, v1  }
0x3c: {  	v43 =	vld [tilespmem:$0x930];
	v0 =	vadd.f32 v6, v0  }
0x3d: {  	v44 =	vld [tilespmem:$0x940];
	v1 =	vadd.f32 v39, v1  }
0x3e: {  	v45 =	vld [tilespmem:$0x950];
	v0 =	vadd.f32 v40, v0  }
0x3f: {  	v46 =	vld [tilespmem:$0x960];
	v1 =	vadd.f32 v41, v1  }
0x40: {  	v47 =	vld [tilespmem:$0x970];
	v0 =	vadd.f32 v42, v0  }
0x41: {  	v48 =	vld [tilespmem:$0x980];
	v1 =	vadd.f32 v43, v1  }
0x42: {  	v49 =	vld [tilespmem:$0x990];
	v0 =	vadd.f32 v44, v0  }
0x43: {  	v50 =	vld [tilespmem:$0x9A0];
	v1 =	vadd.f32 v45, v1  }
0x44: {  	v51 =	vld [tilespmem:$0x9B0];
	v0 =	vadd.f32 v46, v0  }
0x45: {  	v52 =	vld [tilespmem:$0x9C0];
	v1 =	vadd.f32 v47, v1  }
0x46: {  	v53 =	vld [tilespmem:$0x9D0];
	v0 =	vadd.f32 v48, v0  }
0x47: {  	v54 =	vld [tilespmem:$0x9E0];
	v1 =	vadd.f32 v49, v1  }
0x48: {  	v55 =	vld [tilespmem:$0x9F0];
	v0 =	vadd.f32 v50, v0  }
0x49: {  	v56 =	vld [tilespmem:$0xA00];
	v1 =	vadd.f32 v51, v1  }
0x4a: {  	v57 =	vld [tilespmem:$0xA10];
	v0 =	vadd.f32 v52, v0  }
0x4b: {  	v58 =	vld [tilespmem:$0xA20];
	v1 =	vadd.f32 v53, v1  }
0x4c: {  	v59 =	vld [tilespmem:$0xA30];
	v0 =	vadd.f32 v54, v0  }
0x4d: {  	v60 =	vld [tilespmem:$0xA40];
	v1 =	vadd.f32 v55, v1  }
0x4e: {  	v61 =	vld [tilespmem:$0xA50];
	v0 =	vadd.f32 v56, v0  }
0x4f: {  	v62 =	vld [tilespmem:$0xA60];
	v1 =	vadd.f32 v57, v1  }
0x50: {  	v63 =	vld [tilespmem:$0xA70];
	v0 =	vadd.f32 v58, v0  }
0x51: {  	v1 =	vadd.f32 v59, v1  }
0x52: {  	v0 =	vadd.f32 v60, v0  }
0x53: {  	v1 =	vadd.f32 v61, v1  }
0x54: {  	v0 =	vadd.f32 v62, v0  }
0x55: {  	v1 =	vadd.f32 v63, v1  }
0x56: {  	(xrf2) =	vadd.scan.msk.f32 $0xffff, v0  }
0x57: {  	(xrf2) =	vadd.scan.msk.f32 $0xffff, v1;
	_ =	sdelay $0x8  }
0x58: {  	v0, _, _ =	vpop (xrf2)  }
0x59: {  	v1, _, _ =	vpop (xrf2)  }
0x5a: {  	v1 =	vbroadcast v1, $0xF;
	_ =	sdelay $0x1  }
0x5b: {  	(erf) = vrcp.f32 v1;
	_ =	sdelay $0x7  }
0x5c: {  	v0 =	vbroadcast v0, $0xF  }
0x5d: {  	v1 =	vpop (erf)  }
0x5e: {  	v0 =	vmul.f32 v1, v0;
	_ =	sdelay $0x1  }
0x5f: {  	s30 =	simm.s32 $0x0;
	s31 =	simm.s32 $0xA80;
	[tilespmem:$0xA80] =	vst v0  }
0x60: {  	[hbm4b:s1+s30] =	stream.linear.scatter [tilespmem:s31], [sflag:$0x2], $0x80, $0x38;
	[tilespmem:$0xB20] =	vst v63  }
0x61: {  	_ =	swait.ge [sflag:s2], $0x80  }
0x62: {  	[sflag:s2] =	ssyncset.done $0x0  }
0x63: {  	[sflag:s2] =	ssyncadd.s32 $0xFFFFFF80  }
0x64: {  	_ =	sfence.sel $0x180000  }
0x65: {  	[bflag:$0x0] =	sbarrier.arrive $0xFFFF  }
0x66: {  	_ =	strace $0x90000047  }
0x67: {  	s0 =	sadd.s32 $0x100000, s0;
	[bflag:$0x2] =	sbarrier.arrive $0xFFFF  }
0x68: {  	[sflag:s0] =	ssyncadd.tile.s32 $0x1;
	_ =	shalt  }
.Lfunc_end2:
_tile_overlayer_lowered:
.L_overlay_start_2:
0x69: {  	(tag) =	ssettag $0x2  }
0x6a: {  	s0 =	rddreg [dreg:$0x0];
	s2 =	stileid.u32  }
0x6b: {  	s1 =	rddreg [dreg:$0x1];
	p0 =	sne.s32 s2, $0x0  }
0x6c: {  	s3 =	rddreg [dreg:$0x2];
	[bflag:$0x3] =	sbarrier.arrive $0xFFFF;
	s2 =	simm.s32 @!p0 $0x1C02  }
0x6d: {  	[timem:s3], [sflag:s2] =	dma.local @!p0 [hbm:s0], s1  }
0x6e: {  	s0 =	simm.s32 @!p0 $0x2  }
0x6f: {  	_ =	swait.ge @!p0 [sflag:s0], s1  }
0x70: {  	s1 =	ssub.s32 @!p0 $0x0, s1;
	[sflag:s0] =	ssyncset.done @!p0 $0x0  }
0x71: {  	[sflag:s0] =	ssyncadd.s32 @!p0 s1  }
0x72: {  	[bflag:$0x3] =	sbarrier.arrive $0xFFFF  }
0x73: {  	_ =	shalt  }

</sc_bundles>
